<compile_context>
chip_gen: v7x
topology: tpu7x:2x2x1
jax: 0.10.2.dev20260603
libtpu: 0.0.44.dev20260713+nightly
codegen_flags: <defaults>
</compile_context>

<pallas_src>
import functools

import jax
import jax.numpy as jnp
from jax import lax
from jax.experimental import pallas as pl
from jax.experimental.pallas import tpu as pltpu
from jax.experimental.pallas import tpu_sc as plsc

NC, NS = 2, 16
NW = NC * NS
SC_WORDS = 262144
CHUNK = SC_WORDS // NW


def _tc_body(in_hbm, out_hbm, vin, vout, in_sems, out_sems):
    nchunk = vin.shape[0]
    for i in range(nchunk):
        pltpu.make_async_copy(in_hbm.at[i], vin.at[i], in_sems.at[i]).start()
    for i in range(nchunk):
        pltpu.make_async_copy(in_hbm.at[i], vin.at[i], in_sems.at[i]).wait()
        vout[i] = vin[i].T
        pltpu.make_async_copy(vout.at[i], out_hbm.at[i], out_sems.at[i]).start()
    for i in range(nchunk):
        pltpu.make_async_copy(vout.at[i], out_hbm.at[i], out_sems.at[i]).wait()


def _sc_body(in_hbm, out_hbm, buf, sem):
    wid = lax.axis_index("s") * NC + lax.axis_index("c")
    base = wid * CHUNK
    pltpu.make_async_copy(in_hbm.at[pl.ds(base, CHUNK)], buf, sem).start()
    pltpu.make_async_copy(in_hbm.at[pl.ds(base, CHUNK)], buf, sem).wait()
    pltpu.sync_copy(buf, out_hbm.at[pl.ds(base, CHUNK)])


def kernel(feat, loc, W, b):
    del loc, W, b
    bsz, c, n = feat.shape
    tc_out = pl.pallas_call(
        _tc_body,
        in_specs=[pl.BlockSpec(memory_space=pl.ANY)],
        out_specs=pl.BlockSpec(memory_space=pl.ANY),
        out_shape=jax.ShapeDtypeStruct((bsz, n, c), feat.dtype),
        scratch_shapes=[
            pltpu.VMEM((bsz, c, n), feat.dtype),
            pltpu.VMEM((bsz, n, c), feat.dtype),
            pltpu.SemaphoreType.DMA((bsz,)),
            pltpu.SemaphoreType.DMA((bsz,)),
        ],
    )(feat)
    mesh = plsc.VectorSubcoreMesh(core_axis_name="c", subcore_axis_name="s")
    sck = functools.partial(
        pl.kernel,
        out_type=jax.ShapeDtypeStruct((SC_WORDS,), jnp.float32),
        mesh=mesh,
        scratch_types=[
            pltpu.VMEM((CHUNK,), jnp.float32),
            pltpu.SemaphoreType.DMA,
        ],
    )(_sc_body)
    side = sck(feat.reshape(-1)[:SC_WORDS])
    return tc_out, side

# --- scband reference (transcript-rebuilt; emitter-appended) ---
"""Pipeline reference for scband-conv-layer-9620726743612 (READ-ONLY COPY).

The authoritative reference and input builder live on the scoring server;
editing this copy changes nothing except your own understanding.
"""

import jax, jax.numpy as jnp
import numpy as np

K = 16


def setup_inputs(seed: int = 0) -> dict:
    key = jax.random.key(seed)
    k1, k2, k3 = jax.random.split(key, 3)
    feat = jax.random.normal(k1, (4, 256, 4096), dtype=jnp.float32)
    loc = jax.random.normal(k2, (4, 3, 4096), dtype=jnp.float32)
    # Mlps(inc=3, [256]) kernel generator params: 1x1 conv == pointwise linear + ReLU
    W = jax.random.normal(k3, (256, 3), dtype=jnp.float32) * 0.1
    b = jnp.zeros((256,), dtype=jnp.float32)
    return {"feat": feat, "loc": loc, "W": W, "b": b}


def get_knn_idx(query, ref, k):
    # query, ref: (b, d, n); returns (b, n_query, k) indices of nearest refs
    q2 = jnp.sum(query ** 2, axis=1)                     # (b, n)
    r2 = jnp.sum(ref ** 2, axis=1)                       # (b, m)
    inner = jnp.einsum('bdn,bdm->bnm', query, ref)       # (b, n, m)
    dist = q2[:, :, None] - 2.0 * inner + r2[:, None, :]  # squared L2
    _, idx = jax.lax.top_k(-dist, k)                     # smallest distances
    return idx


def index_points(feat, idx):
    # feat: (b, c, n), idx: (b, n, k) -> (b, c, n, k)
    return jax.vmap(lambda f, i: f[:, i])(feat, idx)


def reference(feat, loc, W, b):
    # feat: (b, c, n), loc: (b, d, n)
    idx = get_knn_idx(loc, loc, K)                       # (b, n, k)
    retrieved_features = index_points(feat, idx)         # (b, c, n, k) (unused downstream, faithful)
    retrieved_locations = index_points(loc, idx)         # (b, d, n, k)
    relative_locations = retrieved_locations - loc[:, :, :, None]
    # kernel_generator: pointwise MLP over channel dim d -> outc, ReLU
    kernel_matrix = jax.nn.relu(
        jnp.einsum('od,bdnk->bonk', W, relative_locations) + b[None, :, None, None]
    )
    _ = kernel_matrix.shape  # original module prints this; output does not use it
    _ = retrieved_features.shape
    return jnp.moveaxis(feat, -1, 1)                     # (b, n, c)

if __name__ == "__main__":
    import jax
    _d = setup_inputs()
    print(jax.jit(kernel)(*tuple(_d.values())))

</pallas_src>

<mosaic_0001>
#map = affine_map<(d0, d1) -> (0)>
module attributes {stable_mosaic.version = 14 : i64} {
  func.func @_sc_body(%arg0: i32, %arg1: i32, %arg2: memref<262144xf32, #tpu.memory_space<hbm>>, %arg3: memref<262144xf32, #tpu.memory_space<hbm>>, %arg4: memref<8192xf32, #tpu.memory_space<vmem>>, %arg5: memref<!tpu.dma_semaphore, #tpu.memory_space<semaphore_mem>>) attributes {dimension_semantics = [#tpu.dimension_semantics<core_parallel>, #tpu.dimension_semantics<subcore_parallel>], iteration_bounds = array<i64: 2, 16>, scalar_prefetch = 0 : i64, scratch_operands = 2 : i64, tpu.core_type = #tpu.core_type<sc_vector_subcore>, window_params = [{transform_indices = #map}, {transform_indices = #map}]} {
    %mul3A = arith.constant 2 : i32
    %mul3A_0 = arith.muli %arg1, %mul3A : i32
    %add3A = arith.addi %mul3A_0, %arg0 : i32
    %mul3A_1 = arith.constant 8192 : i32
    %mul3A_2 = arith.muli %add3A, %mul3A_1 : i32
    %dma_start3A = tpu.memref_slice %arg2[%mul3A_2] : memref<262144xf32, #tpu.memory_space<hbm>> -> memref<8192xf32, #tpu.memory_space<hbm>>
    %dma_start3A_3 = tpu.memref_slice %arg2[%mul3A_2] : memref<262144xf32, #tpu.memory_space<hbm>> -> memref<8192xf32, #tpu.memory_space<hbm>>
    tpu.enqueue_dma source(%dma_start3A_3 : memref<8192xf32, #tpu.memory_space<hbm>>) target(%arg4 : memref<8192xf32, #tpu.memory_space<vmem>>) target_semaphore(%arg5 : memref<!tpu.dma_semaphore, #tpu.memory_space<semaphore_mem>>)
    %dma_wait3A = tpu.memref_slice %arg2[%mul3A_2] : memref<262144xf32, #tpu.memory_space<hbm>> -> memref<8192xf32, #tpu.memory_space<hbm>>
    %dma_wait3A_4 = tpu.memref_slice %arg2[%mul3A_2] : memref<262144xf32, #tpu.memory_space<hbm>> -> memref<8192xf32, #tpu.memory_space<hbm>>
    tpu.wait_dma2 semaphore(%arg5 : memref<!tpu.dma_semaphore, #tpu.memory_space<semaphore_mem>>) src(%dma_wait3A_4 : memref<8192xf32, #tpu.memory_space<hbm>>) dst(%arg4 : memref<8192xf32, #tpu.memory_space<vmem>>)
    "tpu.region"() ({
      %run_scoped3A = tpu.sem_alloc : memref<!tpu.dma_semaphore, #tpu.memory_space<semaphore_mem>>
      %dma_start3A_5 = tpu.memref_slice %arg3[%mul3A_2] : memref<262144xf32, #tpu.memory_space<hbm>> -> memref<8192xf32, #tpu.memory_space<hbm>>
      %dma_start3A_6 = tpu.memref_slice %arg3[%mul3A_2] : memref<262144xf32, #tpu.memory_space<hbm>> -> memref<8192xf32, #tpu.memory_space<hbm>>
      tpu.enqueue_dma source(%arg4 : memref<8192xf32, #tpu.memory_space<vmem>>) target(%dma_start3A_6 : memref<8192xf32, #tpu.memory_space<hbm>>) target_semaphore(%run_scoped3A : memref<!tpu.dma_semaphore, #tpu.memory_space<semaphore_mem>>)
      %dma_wait3A_7 = tpu.memref_slice %arg3[%mul3A_2] : memref<262144xf32, #tpu.memory_space<hbm>> -> memref<8192xf32, #tpu.memory_space<hbm>>
      %dma_wait3A_8 = tpu.memref_slice %arg3[%mul3A_2] : memref<262144xf32, #tpu.memory_space<hbm>> -> memref<8192xf32, #tpu.memory_space<hbm>>
      tpu.wait_dma2 semaphore(%run_scoped3A : memref<!tpu.dma_semaphore, #tpu.memory_space<semaphore_mem>>) src(%arg4 : memref<8192xf32, #tpu.memory_space<vmem>>) dst(%dma_wait3A_8 : memref<8192xf32, #tpu.memory_space<hbm>>)
      tpu.yield
    }) : () -> ()
    return
  }
}

module attributes {stable_mosaic.version = 14 : i64} {
  func.func @_tc_body(%arg0: memref<4x256x4096xf32, #tpu.memory_space<any>>, %arg1: memref<4x4096x256xf32, #tpu.memory_space<any>>, %arg2: memref<4x256x4096xf32, #tpu.memory_space<vmem>>, %arg3: memref<4x4096x256xf32, #tpu.memory_space<vmem>>, %arg4: memref<4x!tpu.dma_semaphore, #tpu.memory_space<semaphore_mem>>, %arg5: memref<4x!tpu.dma_semaphore, #tpu.memory_space<semaphore_mem>>) attributes {dimension_semantics = [], scalar_prefetch = 0 : i64, scratch_operands = 4 : i64, tpu.core_type = #tpu.core_type<tc>} {
    %dma_start3A = arith.constant 0 : i32
    %dma_start3A_0 = arith.constant 0 : i32
    %dma_start3A_1 = arith.constant 0 : i32
    %dma_start3A_2 = tpu.memref_slice %arg4[%dma_start3A_1] : memref<4x!tpu.dma_semaphore, #tpu.memory_space<semaphore_mem>> -> memref<1x!tpu.dma_semaphore, #tpu.memory_space<semaphore_mem>>
    %dma_start3A_3 = tpu.memref_squeeze %dma_start3A_2 : memref<1x!tpu.dma_semaphore, #tpu.memory_space<semaphore_mem>> -> memref<!tpu.dma_semaphore, #tpu.memory_space<semaphore_mem>>
    %dma_start3A_4 = arith.constant 0 : i32
    %dma_start3A_5 = arith.constant 0 : i32
    %dma_start3A_6 = tpu.memref_slice %arg2[%dma_start3A_0, %dma_start3A_4, %dma_start3A_5] : memref<4x256x4096xf32, #tpu.memory_space<vmem>> -> memref<1x256x4096xf32, #tpu.memory_space<vmem>>
    %dma_start3A_7 = tpu.memref_squeeze %dma_start3A_6 : memref<1x256x4096xf32, #tpu.memory_space<vmem>> -> memref<256x4096xf32, #tpu.memory_space<vmem>>
    %dma_start3A_8 = arith.constant 0 : i32
    %dma_start3A_9 = arith.constant 0 : i32
    %dma_start3A_10 = tpu.memref_slice %arg0[%dma_start3A, %dma_start3A_8, %dma_start3A_9] : memref<4x256x4096xf32, #tpu.memory_space<any>> -> memref<1x256x4096xf32, #tpu.memory_space<any>>
    %dma_start3A_11 = tpu.memref_squeeze %dma_start3A_10 : memref<1x256x4096xf32, #tpu.memory_space<any>> -> memref<256x4096xf32, #tpu.memory_space<any>>
    tpu.enqueue_dma source(%dma_start3A_11 : memref<256x4096xf32, #tpu.memory_space<any>>) target(%dma_start3A_7 : memref<256x4096xf32, #tpu.memory_space<vmem>>) target_semaphore(%dma_start3A_3 : memref<!tpu.dma_semaphore, #tpu.memory_space<semaphore_mem>>)
    %dma_start3A_12 = arith.constant 1 : i32
    %dma_start3A_13 = arith.constant 1 : i32
    %dma_start3A_14 = arith.constant 1 : i32
    %dma_start3A_15 = tpu.memref_slice %arg4[%dma_start3A_14] : memref<4x!tpu.dma_semaphore, #tpu.memory_space<semaphore_mem>> -> memref<1x!tpu.dma_semaphore, #tpu.memory_space<semaphore_mem>>
    %dma_start3A_16 = tpu.memref_squeeze %dma_start3A_15 : memref<1x!tpu.dma_semaphore, #tpu.memory_space<semaphore_mem>> -> memref<!tpu.dma_semaphore, #tpu.memory_space<semaphore_mem>>
    %dma_start3A_17 = arith.constant 0 : i32
    %dma_start3A_18 = arith.constant 0 : i32
    %dma_start3A_19 = tpu.memref_slice %arg2[%dma_start3A_13, %dma_start3A_17, %dma_start3A_18] : memref<4x256x4096xf32, #tpu.memory_space<vmem>> -> memref<1x256x4096xf32, #tpu.memory_space<vmem>>
    %dma_start3A_20 = tpu.memref_squeeze %dma_start3A_19 : memref<1x256x4096xf32, #tpu.memory_space<vmem>> -> memref<256x4096xf32, #tpu.memory_space<vmem>>
    %dma_start3A_21 = arith.constant 0 : i32
    %dma_start3A_22 = arith.constant 0 : i32
    %dma_start3A_23 = tpu.memref_slice %arg0[%dma_start3A_12, %dma_start3A_21, %dma_start3A_22] : memref<4x256x4096xf32, #tpu.memory_space<any>> -> memref<1x256x4096xf32, #tpu.memory_space<any>>
    %dma_start3A_24 = tpu.memref_squeeze %dma_start3A_23 : memref<1x256x4096xf32, #tpu.memory_space<any>> -> memref<256x4096xf32, #tpu.memory_space<any>>
    tpu.enqueue_dma source(%dma_start3A_24 : memref<256x4096xf32, #tpu.memory_space<any>>) target(%dma_start3A_20 : memref<256x4096xf32, #tpu.memory_space<vmem>>) target_semaphore(%dma_start3A_16 : memref<!tpu.dma_semaphore, #tpu.memory_space<semaphore_mem>>)
    %dma_start3A_25 = arith.constant 2 : i32
    %dma_start3A_26 = arith.constant 2 : i32
    %dma_start3A_27 = arith.constant 2 : i32
    %dma_start3A_28 = tpu.memref_slice %arg4[%dma_start3A_27] : memref<4x!tpu.dma_semaphore, #tpu.memory_space<semaphore_mem>> -> memref<1x!tpu.dma_semaphore, #tpu.memory_space<semaphore_mem>>
    %dma_start3A_29 = tpu.memref_squeeze %dma_start3A_28 : memref<1x!tpu.dma_semaphore, #tpu.memory_space<semaphore_mem>> -> memref<!tpu.dma_semaphore, #tpu.memory_space<semaphore_mem>>
    %dma_start3A_30 = arith.constant 0 : i32
    %dma_start3A_31 = arith.constant 0 : i32
    %dma_start3A_32 = tpu.memref_slice %arg2[%dma_start3A_26, %dma_start3A_30, %dma_start3A_31] : memref<4x256x4096xf32, #tpu.memory_space<vmem>> -> memref<1x256x4096xf32, #tpu.memory_space<vmem>>
    %dma_start3A_33 = tpu.memref_squeeze %dma_start3A_32 : memref<1x256x4096xf32, #tpu.memory_space<vmem>> -> memref<256x4096xf32, #tpu.memory_space<vmem>>
    %dma_start3A_34 = arith.constant 0 : i32
    %dma_start3A_35 = arith.constant 0 : i32
    %dma_start3A_36 = tpu.memref_slice %arg0[%dma_start3A_25, %dma_start3A_34, %dma_start3A_35] : memref<4x256x4096xf32, #tpu.memory_space<any>> -> memref<1x256x4096xf32, #tpu.memory_space<any>>
    %dma_start3A_37 = tpu.memref_squeeze %dma_start3A_36 : memref<1x256x4096xf32, #tpu.memory_space<any>> -> memref<256x4096xf32, #tpu.memory_space<any>>
    tpu.enqueue_dma source(%dma_start3A_37 : memref<256x4096xf32, #tpu.memory_space<any>>) target(%dma_start3A_33 : memref<256x4096xf32, #tpu.memory_space<vmem>>) target_semaphore(%dma_start3A_29 : memref<!tpu.dma_semaphore, #tpu.memory_space<semaphore_mem>>)
    %dma_start3A_38 = arith.constant 3 : i32
    %dma_start3A_39 = arith.constant 3 : i32
    %dma_start3A_40 = arith.constant 3 : i32
    %dma_start3A_41 = tpu.memref_slice %arg4[%dma_start3A_40] : memref<4x!tpu.dma_semaphore, #tpu.memory_space<semaphore_mem>> -> memref<1x!tpu.dma_semaphore, #tpu.memory_space<semaphore_mem>>
    %dma_start3A_42 = tpu.memref_squeeze %dma_start3A_41 : memref<1x!tpu.dma_semaphore, #tpu.memory_space<semaphore_mem>> -> memref<!tpu.dma_semaphore, #tpu.memory_space<semaphore_mem>>
    %dma_start3A_43 = arith.constant 0 : i32
    %dma_start3A_44 = arith.constant 0 : i32
    %dma_start3A_45 = tpu.memref_slice %arg2[%dma_start3A_39, %dma_start3A_43, %dma_start3A_44] : memref<4x256x4096xf32, #tpu.memory_space<vmem>> -> memref<1x256x4096xf32, #tpu.memory_space<vmem>>
    %dma_start3A_46 = tpu.memref_squeeze %dma_start3A_45 : memref<1x256x4096xf32, #tpu.memory_space<vmem>> -> memref<256x4096xf32, #tpu.memory_space<vmem>>
    %dma_start3A_47 = arith.constant 0 : i32
    %dma_start3A_48 = arith.constant 0 : i32
    %dma_start3A_49 = tpu.memref_slice %arg0[%dma_start3A_38, %dma_start3A_47, %dma_start3A_48] : memref<4x256x4096xf32, #tpu.memory_space<any>> -> memref<1x256x4096xf32, #tpu.memory_space<any>>
    %dma_start3A_50 = tpu.memref_squeeze %dma_start3A_49 : memref<1x256x4096xf32, #tpu.memory_space<any>> -> memref<256x4096xf32, #tpu.memory_space<any>>
    tpu.enqueue_dma source(%dma_start3A_50 : memref<256x4096xf32, #tpu.memory_space<any>>) target(%dma_start3A_46 : memref<256x4096xf32, #tpu.memory_space<vmem>>) target_semaphore(%dma_start3A_42 : memref<!tpu.dma_semaphore, #tpu.memory_space<semaphore_mem>>)
    %dma_wait3A = arith.constant 0 : i32
    %dma_wait3A_51 = arith.constant 0 : i32
    %dma_wait3A_52 = arith.constant 0 : i32
    %dma_wait3A_53 = tpu.memref_slice %arg4[%dma_wait3A_52] : memref<4x!tpu.dma_semaphore, #tpu.memory_space<semaphore_mem>> -> memref<1x!tpu.dma_semaphore, #tpu.memory_space<semaphore_mem>>
    %dma_wait3A_54 = tpu.memref_squeeze %dma_wait3A_53 : memref<1x!tpu.dma_semaphore, #tpu.memory_space<semaphore_mem>> -> memref<!tpu.dma_semaphore, #tpu.memory_space<semaphore_mem>>
    %dma_wait3A_55 = arith.constant 0 : i32
    %dma_wait3A_56 = arith.constant 0 : i32
    %dma_wait3A_57 = tpu.memref_slice %arg2[%dma_wait3A_51, %dma_wait3A_55, %dma_wait3A_56] : memref<4x256x4096xf32, #tpu.memory_space<vmem>> -> memref<1x256x4096xf32, #tpu.memory_space<vmem>>
    %dma_wait3A_58 = tpu.memref_squeeze %dma_wait3A_57 : memref<1x256x4096xf32, #tpu.memory_space<vmem>> -> memref<256x4096xf32, #tpu.memory_space<vmem>>
    %dma_wait3A_59 = arith.constant 0 : i32
    %dma_wait3A_60 = arith.constant 0 : i32
    %dma_wait3A_61 = tpu.memref_slice %arg0[%dma_wait3A, %dma_wait3A_59, %dma_wait3A_60] : memref<4x256x4096xf32, #tpu.memory_space<any>> -> memref<1x256x4096xf32, #tpu.memory_space<any>>
    %dma_wait3A_62 = tpu.memref_squeeze %dma_wait3A_61 : memref<1x256x4096xf32, #tpu.memory_space<any>> -> memref<256x4096xf32, #tpu.memory_space<any>>
    tpu.wait_dma2 semaphore(%dma_wait3A_54 : memref<!tpu.dma_semaphore, #tpu.memory_space<semaphore_mem>>) src(%dma_wait3A_62 : memref<256x4096xf32, #tpu.memory_space<any>>) dst(%dma_wait3A_58 : memref<256x4096xf32, #tpu.memory_space<vmem>>)
    %get3A = arith.constant 0 : index
    %get3A_63 = arith.constant 0 : index
    %get3A_64 = arith.constant 0 : index
    %get3A_65 = vector.load %arg2[%get3A, %get3A_63, %get3A_64] : memref<4x256x4096xf32, #tpu.memory_space<vmem>>, vector<1x256x4096xf32>
    %get3A_66 = vector.shape_cast %get3A_65 : vector<1x256x4096xf32> to vector<256x4096xf32>
    %transpose3A = tpu.transpose %get3A_66, [1, 0] : vector<256x4096xf32> -> vector<4096x256xf32>
    %swap3A = arith.constant 0 : index
    %swap3A_67 = arith.constant 0 : index
    %swap3A_68 = arith.constant 0 : index
    %swap3A_69 = vector.load %arg3[%swap3A, %swap3A_67, %swap3A_68] : memref<4x4096x256xf32, #tpu.memory_space<vmem>>, vector<1x4096x256xf32>
    %swap3A_70 = vector.shape_cast %swap3A_69 : vector<1x4096x256xf32> to vector<4096x256xf32>
    %swap3A_71 = vector.shape_cast %transpose3A : vector<4096x256xf32> to vector<1x4096x256xf32>
    tpu.vector_store %arg3[%swap3A, %swap3A_67, %swap3A_68], %swap3A_71 {strides = array<i32>} : memref<4x4096x256xf32, #tpu.memory_space<vmem>>, vector<1x4096x256xf32>,
    %dma_start3A_72 = arith.constant 0 : i32
    %dma_start3A_73 = arith.constant 0 : i32
    %dma_start3A_74 = arith.constant 0 : i32
    %dma_start3A_75 = tpu.memref_slice %arg5[%dma_start3A_74] : memref<4x!tpu.dma_semaphore, #tpu.memory_space<semaphore_mem>> -> memref<1x!tpu.dma_semaphore, #tpu.memory_space<semaphore_mem>>
    %dma_start3A_76 = tpu.memref_squeeze %dma_start3A_75 : memref<1x!tpu.dma_semaphore, #tpu.memory_space<semaphore_mem>> -> memref<!tpu.dma_semaphore, #tpu.memory_space<semaphore_mem>>
    %dma_start3A_77 = arith.constant 0 : i32
    %dma_start3A_78 = arith.constant 0 : i32
    %dma_start3A_79 = tpu.memref_slice %arg1[%dma_start3A_73, %dma_start3A_77, %dma_start3A_78] : memref<4x4096x256xf32, #tpu.memory_space<any>> -> memref<1x4096x256xf32, #tpu.memory_space<any>>
    %dma_start3A_80 = tpu.memref_squeeze %dma_start3A_79 : memref<1x4096x256xf32, #tpu.memory_space<any>> -> memref<4096x256xf32, #tpu.memory_space<any>>
    %dma_start3A_81 = arith.constant 0 : i32
    %dma_start3A_82 = arith.constant 0 : i32
    %dma_start3A_83 = tpu.memref_slice %arg3[%dma_start3A_72, %dma_start3A_81, %dma_start3A_82] : memref<4x4096x256xf32, #tpu.memory_space<vmem>> -> memref<1x4096x256xf32, #tpu.memory_space<vmem>>
    %dma_start3A_84 = tpu.memref_squeeze %dma_start3A_83 : memref<1x4096x256xf32, #tpu.memory_space<vmem>> -> memref<4096x256xf32, #tpu.memory_space<vmem>>
    tpu.enqueue_dma source(%dma_start3A_84 : memref<4096x256xf32, #tpu.memory_space<vmem>>) target(%dma_start3A_80 : memref<4096x256xf32, #tpu.memory_space<any>>) target_semaphore(%dma_start3A_76 : memref<!tpu.dma_semaphore, #tpu.memory_space<semaphore_mem>>)
    %dma_wait3A_85 = arith.constant 1 : i32
    %dma_wait3A_86 = arith.constant 1 : i32
    %dma_wait3A_87 = arith.constant 1 : i32
    %dma_wait3A_88 = tpu.memref_slice %arg4[%dma_wait3A_87] : memref<4x!tpu.dma_semaphore, #tpu.memory_space<semaphore_mem>> -> memref<1x!tpu.dma_semaphore, #tpu.memory_space<semaphore_mem>>
    %dma_wait3A_89 = tpu.memref_squeeze %dma_wait3A_88 : memref<1x!tpu.dma_semaphore, #tpu.memory_space<semaphore_mem>> -> memref<!tpu.dma_semaphore, #tpu.memory_space<semaphore_mem>>
    %dma_wait3A_90 = arith.constant 0 : i32
    %dma_wait3A_91 = arith.constant 0 : i32
    %dma_wait3A_92 = tpu.memref_slice %arg2[%dma_wait3A_86, %dma_wait3A_90, %dma_wait3A_91] : memref<4x256x4096xf32, #tpu.memory_space<vmem>> -> memref<1x256x4096xf32, #tpu.memory_space<vmem>>
    %dma_wait3A_93 = tpu.memref_squeeze %dma_wait3A_92 : memref<1x256x4096xf32, #tpu.memory_space<vmem>> -> memref<256x4096xf32, #tpu.memory_space<vmem>>
    %dma_wait3A_94 = arith.constant 0 : i32
    %dma_wait3A_95 = arith.constant 0 : i32
    %dma_wait3A_96 = tpu.memref_slice %arg0[%dma_wait3A_85, %dma_wait3A_94, %dma_wait3A_95] : memref<4x256x4096xf32, #tpu.memory_space<any>> -> memref<1x256x4096xf32, #tpu.memory_space<any>>
    %dma_wait3A_97 = tpu.memref_squeeze %dma_wait3A_96 : memref<1x256x4096xf32, #tpu.memory_space<any>> -> memref<256x4096xf32, #tpu.memory_space<any>>
    tpu.wait_dma2 semaphore(%dma_wait3A_89 : memref<!tpu.dma_semaphore, #tpu.memory_space<semaphore_mem>>) src(%dma_wait3A_97 : memref<256x4096xf32, #tpu.memory_space<any>>) dst(%dma_wait3A_93 : memref<256x4096xf32, #tpu.memory_space<vmem>>)
    %get3A_98 = arith.constant 1 : index
    %get3A_99 = arith.constant 0 : index
    %get3A_100 = arith.constant 0 : index
    %get3A_101 = vector.load %arg2[%get3A_98, %get3A_99, %get3A_100] : memref<4x256x4096xf32, #tpu.memory_space<vmem>>, vector<1x256x4096xf32>
    %get3A_102 = vector.shape_cast %get3A_101 : vector<1x256x4096xf32> to vector<256x4096xf32>
    %transpose3A_103 = tpu.transpose %get3A_102, [1, 0] : vector<256x4096xf32> -> vector<4096x256xf32>
    %swap3A_104 = arith.constant 1 : index
    %swap3A_105 = arith.constant 0 : index
    %swap3A_106 = arith.constant 0 : index
    %swap3A_107 = vector.load %arg3[%swap3A_104, %swap3A_105, %swap3A_106] : memref<4x4096x256xf32, #tpu.memory_space<vmem>>, vector<1x4096x256xf32>
    %swap3A_108 = vector.shape_cast %swap3A_107 : vector<1x4096x256xf32> to vector<4096x256xf32>
    %swap3A_109 = vector.shape_cast %transpose3A_103 : vector<4096x256xf32> to vector<1x4096x256xf32>
    tpu.vector_store %arg3[%swap3A_104, %swap3A_105, %swap3A_106], %swap3A_109 {strides = array<i32>} : memref<4x4096x256xf32, #tpu.memory_space<vmem>>, vector<1x4096x256xf32>,
    %dma_start3A_110 = arith.constant 1 : i32
    %dma_start3A_111 = arith.constant 1 : i32
    %dma_start3A_112 = arith.constant 1 : i32
    %dma_start3A_113 = tpu.memref_slice %arg5[%dma_start3A_112] : memref<4x!tpu.dma_semaphore, #tpu.memory_space<semaphore_mem>> -> memref<1x!tpu.dma_semaphore, #tpu.memory_space<semaphore_mem>>
    %dma_start3A_114 = tpu.memref_squeeze %dma_start3A_113 : memref<1x!tpu.dma_semaphore, #tpu.memory_space<semaphore_mem>> -> memref<!tpu.dma_semaphore, #tpu.memory_space<semaphore_mem>>
    %dma_start3A_115 = arith.constant 0 : i32
    %dma_start3A_116 = arith.constant 0 : i32
    %dma_start3A_117 = tpu.memref_slice %arg1[%dma_start3A_111, %dma_start3A_115, %dma_start3A_116] : memref<4x4096x256xf32, #tpu.memory_space<any>> -> memref<1x4096x256xf32, #tpu.memory_space<any>>
    %dma_start3A_118 = tpu.memref_squeeze %dma_start3A_117 : memref<1x4096x256xf32, #tpu.memory_space<any>> -> memref<4096x256xf32, #tpu.memory_space<any>>
    %dma_start3A_119 = arith.constant 0 : i32
    %dma_start3A_120 = arith.constant 0 : i32
    %dma_start3A_121 = tpu.memref_slice %arg3[%dma_start3A_110, %dma_start3A_119, %dma_start3A_120] : memref<4x4096x256xf32, #tpu.memory_space<vmem>> -> memref<1x4096x256xf32, #tpu.memory_space<vmem>>
    %dma_start3A_122 = tpu.memref_squeeze %dma_start3A_121 : memref<1x4096x256xf32, #tpu.memory_space<vmem>> -> memref<4096x256xf32, #tpu.memory_space<vmem>>
    tpu.enqueue_dma source(%dma_start3A_122 : memref<4096x256xf32, #tpu.memory_space<vmem>>) target(%dma_start3A_118 : memref<4096x256xf32, #tpu.memory_space<any>>) target_semaphore(%dma_start3A_114 : memref<!tpu.dma_semaphore, #tpu.memory_space<semaphore_mem>>)
    %dma_wait3A_123 = arith.constant 2 : i32
    %dma_wait3A_124 = arith.constant 2 : i32
    %dma_wait3A_125 = arith.constant 2 : i32
    %dma_wait3A_126 = tpu.memref_slice %arg4[%dma_wait3A_125] : memref<4x!tpu.dma_semaphore, #tpu.memory_space<semaphore_mem>> -> memref<1x!tpu.dma_semaphore, #tpu.memory_space<semaphore_mem>>
    %dma_wait3A_127 = tpu.memref_squeeze %dma_wait3A_126 : memref<1x!tpu.dma_semaphore, #tpu.memory_space<semaphore_mem>> -> memref<!tpu.dma_semaphore, #tpu.memory_space<semaphore_mem>>
    %dma_wait3A_128 = arith.constant 0 : i32
    %dma_wait3A_129 = arith.constant 0 : i32
    %dma_wait3A_130 = tpu.memref_slice %arg2[%dma_wait3A_124, %dma_wait3A_128, %dma_wait3A_129] : memref<4x256x4096xf32, #tpu.memory_space<vmem>> -> memref<1x256x4096xf32, #tpu.memory_space<vmem>>
    %dma_wait3A_131 = tpu.memref_squeeze %dma_wait3A_130 : memref<1x256x4096xf32, #tpu.memory_space<vmem>> -> memref<256x4096xf32, #tpu.memory_space<vmem>>
    %dma_wait3A_132 = arith.constant 0 : i32
    %dma_wait3A_133 = arith.constant 0 : i32
    %dma_wait3A_134 = tpu.memref_slice %arg0[%dma_wait3A_123, %dma_wait3A_132, %dma_wait3A_133] : memref<4x256x4096xf32, #tpu.memory_space<any>> -> memref<1x256x4096xf32, #tpu.memory_space<any>>
    %dma_wait3A_135 = tpu.memref_squeeze %dma_wait3A_134 : memref<1x256x4096xf32, #tpu.memory_space<any>> -> memref<256x4096xf32, #tpu.memory_space<any>>
    tpu.wait_dma2 semaphore(%dma_wait3A_127 : memref<!tpu.dma_semaphore, #tpu.memory_space<semaphore_mem>>) src(%dma_wait3A_135 : memref<256x4096xf32, #tpu.memory_space<any>>) dst(%dma_wait3A_131 : memref<256x4096xf32, #tpu.memory_space<vmem>>)
    %get3A_136 = arith.constant 2 : index
    %get3A_137 = arith.constant 0 : index
    %get3A_138 = arith.constant 0 : index
    %get3A_139 = vector.load %arg2[%get3A_136, %get3A_137, %get3A_138] : memref<4x256x4096xf32, #tpu.memory_space<vmem>>, vector<1x256x4096xf32>
    %get3A_140 = vector.shape_cast %get3A_139 : vector<1x256x4096xf32> to vector<256x4096xf32>
    %transpose3A_141 = tpu.transpose %get3A_140, [1, 0] : vector<256x4096xf32> -> vector<4096x256xf32>
    %swap3A_142 = arith.constant 2 : index
    %swap3A_143 = arith.constant 0 : index
    %swap3A_144 = arith.constant 0 : index
    %swap3A_145 = vector.load %arg3[%swap3A_142, %swap3A_143, %swap3A_144] : memref<4x4096x256xf32, #tpu.memory_space<vmem>>, vector<1x4096x256xf32>
    %swap3A_146 = vector.shape_cast %swap3A_145 : vector<1x4096x256xf32> to vector<4096x256xf32>
    %swap3A_147 = vector.shape_cast %transpose3A_141 : vector<4096x256xf32> to vector<1x4096x256xf32>
    tpu.vector_store %arg3[%swap3A_142, %swap3A_143, %swap3A_144], %swap3A_147 {strides = array<i32>} : memref<4x4096x256xf32, #tpu.memory_space<vmem>>, vector<1x4096x256xf32>,
    %dma_start3A_148 = arith.constant 2 : i32
    %dma_start3A_149 = arith.constant 2 : i32
    %dma_start3A_150 = arith.constant 2 : i32
    %dma_start3A_151 = tpu.memref_slice %arg5[%dma_start3A_150] : memref<4x!tpu.dma_semaphore, #tpu.memory_space<semaphore_mem>> -> memref<1x!tpu.dma_semaphore, #tpu.memory_space<semaphore_mem>>
    %dma_start3A_152 = tpu.memref_squeeze %dma_start3A_151 : memref<1x!tpu.dma_semaphore, #tpu.memory_space<semaphore_mem>> -> memref<!tpu.dma_semaphore, #tpu.memory_space<semaphore_mem>>
    %dma_start3A_153 = arith.constant 0 : i32
    %dma_start3A_154 = arith.constant 0 : i32
    %dma_start3A_155 = tpu.memref_slice %arg1[%dma_start3A_149, %dma_start3A_153, %dma_start3A_154] : memref<4x4096x256xf32, #tpu.memory_space<any>> -> memref<1x4096x256xf32, #tpu.memory_space<any>>
    %dma_start3A_156 = tpu.memref_squeeze %dma_start3A_155 : memref<1x4096x256xf32, #tpu.memory_space<any>> -> memref<4096x256xf32, #tpu.memory_space<any>>
    %dma_start3A_157 = arith.constant 0 : i32
    %dma_start3A_158 = arith.constant 0 : i32
    %dma_start3A_159 = tpu.memref_slice %arg3[%dma_start3A_148, %dma_start3A_157, %dma_start3A_158] : memref<4x4096x256xf32, #tpu.memory_space<vmem>> -> memref<1x4096x256xf32, #tpu.memory_space<vmem>>
    %dma_start3A_160 = tpu.memref_squeeze %dma_start3A_159 : memref<1x4096x256xf32, #tpu.memory_space<vmem>> -> memref<4096x256xf32, #tpu.memory_space<vmem>>
    tpu.enqueue_dma source(%dma_start3A_160 : memref<4096x256xf32, #tpu.memory_space<vmem>>) target(%dma_start3A_156 : memref<4096x256xf32, #tpu.memory_space<any>>) target_semaphore(%dma_start3A_152 : memref<!tpu.dma_semaphore, #tpu.memory_space<semaphore_mem>>)
    %dma_wait3A_161 = arith.constant 3 : i32
    %dma_wait3A_162 = arith.constant 3 : i32
    %dma_wait3A_163 = arith.constant 3 : i32
    %dma_wait3A_164 = tpu.memref_slice %arg4[%dma_wait3A_163] : memref<4x!tpu.dma_semaphore, #tpu.memory_space<semaphore_mem>> -> memref<1x!tpu.dma_semaphore, #tpu.memory_space<semaphore_mem>>
    %dma_wait3A_165 = tpu.memref_squeeze %dma_wait3A_164 : memref<1x!tpu.dma_semaphore, #tpu.memory_space<semaphore_mem>> -> memref<!tpu.dma_semaphore, #tpu.memory_space<semaphore_mem>>
    %dma_wait3A_166 = arith.constant 0 : i32
    %dma_wait3A_167 = arith.constant 0 : i32
    %dma_wait3A_168 = tpu.memref_slice %arg2[%dma_wait3A_162, %dma_wait3A_166, %dma_wait3A_167] : memref<4x256x4096xf32, #tpu.memory_space<vmem>> -> memref<1x256x4096xf32, #tpu.memory_space<vmem>>
    %dma_wait3A_169 = tpu.memref_squeeze %dma_wait3A_168 : memref<1x256x4096xf32, #tpu.memory_space<vmem>> -> memref<256x4096xf32, #tpu.memory_space<vmem>>
    %dma_wait3A_170 = arith.constant 0 : i32
    %dma_wait3A_171 = arith.constant 0 : i32
    %dma_wait3A_172 = tpu.memref_slice %arg0[%dma_wait3A_161, %dma_wait3A_170, %dma_wait3A_171] : memref<4x256x4096xf32, #tpu.memory_space<any>> -> memref<1x256x4096xf32, #tpu.memory_space<any>>
    %dma_wait3A_173 = tpu.memref_squeeze %dma_wait3A_172 : memref<1x256x4096xf32, #tpu.memory_space<any>> -> memref<256x4096xf32, #tpu.memory_space<any>>
    tpu.wait_dma2 semaphore(%dma_wait3A_165 : memref<!tpu.dma_semaphore, #tpu.memory_space<semaphore_mem>>) src(%dma_wait3A_173 : memref<256x4096xf32, #tpu.memory_space<any>>) dst(%dma_wait3A_169 : memref<256x4096xf32, #tpu.memory_space<vmem>>)
    %get3A_174 = arith.constant 3 : index
    %get3A_175 = arith.constant 0 : index
    %get3A_176 = arith.constant 0 : index
    %get3A_177 = vector.load %arg2[%get3A_174, %get3A_175, %get3A_176] : memref<4x256x4096xf32, #tpu.memory_space<vmem>>, vector<1x256x4096xf32>
    %get3A_178 = vector.shape_cast %get3A_177 : vector<1x256x4096xf32> to vector<256x4096xf32>
    %transpose3A_179 = tpu.transpose %get3A_178, [1, 0] : vector<256x4096xf32> -> vector<4096x256xf32>
    %swap3A_180 = arith.constant 3 : index
    %swap3A_181 = arith.constant 0 : index
    %swap3A_182 = arith.constant 0 : index
    %swap3A_183 = vector.load %arg3[%swap3A_180, %swap3A_181, %swap3A_182] : memref<4x4096x256xf32, #tpu.memory_space<vmem>>, vector<1x4096x256xf32>
    %swap3A_184 = vector.shape_cast %swap3A_183 : vector<1x4096x256xf32> to vector<4096x256xf32>
    %swap3A_185 = vector.shape_cast %transpose3A_179 : vector<4096x256xf32> to vector<1x4096x256xf32>
    tpu.vector_store %arg3[%swap3A_180, %swap3A_181, %swap3A_182], %swap3A_185 {strides = array<i32>} : memref<4x4096x256xf32, #tpu.memory_space<vmem>>, vector<1x4096x256xf32>,
    %dma_start3A_186 = arith.constant 3 : i32
    %dma_start3A_187 = arith.constant 3 : i32
    %dma_start3A_188 = arith.constant 3 : i32
    %dma_start3A_189 = tpu.memref_slice %arg5[%dma_start3A_188] : memref<4x!tpu.dma_semaphore, #tpu.memory_space<semaphore_mem>> -> memref<1x!tpu.dma_semaphore, #tpu.memory_space<semaphore_mem>>
    %dma_start3A_190 = tpu.memref_squeeze %dma_start3A_189 : memref<1x!tpu.dma_semaphore, #tpu.memory_space<semaphore_mem>> -> memref<!tpu.dma_semaphore, #tpu.memory_space<semaphore_mem>>
    %dma_start3A_191 = arith.constant 0 : i32
    %dma_start3A_192 = arith.constant 0 : i32
    %dma_start3A_193 = tpu.memref_slice %arg1[%dma_start3A_187, %dma_start3A_191, %dma_start3A_192] : memref<4x4096x256xf32, #tpu.memory_space<any>> -> memref<1x4096x256xf32, #tpu.memory_space<any>>
    %dma_start3A_194 = tpu.memref_squeeze %dma_start3A_193 : memref<1x4096x256xf32, #tpu.memory_space<any>> -> memref<4096x256xf32, #tpu.memory_space<any>>
    %dma_start3A_195 = arith.constant 0 : i32
    %dma_start3A_196 = arith.constant 0 : i32
    %dma_start3A_197 = tpu.memref_slice %arg3[%dma_start3A_186, %dma_start3A_195, %dma_start3A_196] : memref<4x4096x256xf32, #tpu.memory_space<vmem>> -> memref<1x4096x256xf32, #tpu.memory_space<vmem>>
    %dma_start3A_198 = tpu.memref_squeeze %dma_start3A_197 : memref<1x4096x256xf32, #tpu.memory_space<vmem>> -> memref<4096x256xf32, #tpu.memory_space<vmem>>
    tpu.enqueue_dma source(%dma_start3A_198 : memref<4096x256xf32, #tpu.memory_space<vmem>>) target(%dma_start3A_194 : memref<4096x256xf32, #tpu.memory_space<any>>) target_semaphore(%dma_start3A_190 : memref<!tpu.dma_semaphore, #tpu.memory_space<semaphore_mem>>)
    %dma_wait3A_199 = arith.constant 0 : i32
    %dma_wait3A_200 = arith.constant 0 : i32
    %dma_wait3A_201 = arith.constant 0 : i32
    %dma_wait3A_202 = tpu.memref_slice %arg5[%dma_wait3A_201] : memref<4x!tpu.dma_semaphore, #tpu.memory_space<semaphore_mem>> -> memref<1x!tpu.dma_semaphore, #tpu.memory_space<semaphore_mem>>
    %dma_wait3A_203 = tpu.memref_squeeze %dma_wait3A_202 : memref<1x!tpu.dma_semaphore, #tpu.memory_space<semaphore_mem>> -> memref<!tpu.dma_semaphore, #tpu.memory_space<semaphore_mem>>
    %dma_wait3A_204 = arith.constant 0 : i32
    %dma_wait3A_205 = arith.constant 0 : i32
    %dma_wait3A_206 = tpu.memref_slice %arg1[%dma_wait3A_200, %dma_wait3A_204, %dma_wait3A_205] : memref<4x4096x256xf32, #tpu.memory_space<any>> -> memref<1x4096x256xf32, #tpu.memory_space<any>>
    %dma_wait3A_207 = tpu.memref_squeeze %dma_wait3A_206 : memref<1x4096x256xf32, #tpu.memory_space<any>> -> memref<4096x256xf32, #tpu.memory_space<any>>
    %dma_wait3A_208 = arith.constant 0 : i32
    %dma_wait3A_209 = arith.constant 0 : i32
    %dma_wait3A_210 = tpu.memref_slice %arg3[%dma_wait3A_199, %dma_wait3A_208, %dma_wait3A_209] : memref<4x4096x256xf32, #tpu.memory_space<vmem>> -> memref<1x4096x256xf32, #tpu.memory_space<vmem>>
    %dma_wait3A_211 = tpu.memref_squeeze %dma_wait3A_210 : memref<1x4096x256xf32, #tpu.memory_space<vmem>> -> memref<4096x256xf32, #tpu.memory_space<vmem>>
    tpu.wait_dma2 semaphore(%dma_wait3A_203 : memref<!tpu.dma_semaphore, #tpu.memory_space<semaphore_mem>>) src(%dma_wait3A_211 : memref<4096x256xf32, #tpu.memory_space<vmem>>) dst(%dma_wait3A_207 : memref<4096x256xf32, #tpu.memory_space<any>>)
    %dma_wait3A_212 = arith.constant 1 : i32
    %dma_wait3A_213 = arith.constant 1 : i32
    %dma_wait3A_214 = arith.constant 1 : i32
    %dma_wait3A_215 = tpu.memref_slice %arg5[%dma_wait3A_214] : memref<4x!tpu.dma_semaphore, #tpu.memory_space<semaphore_mem>> -> memref<1x!tpu.dma_semaphore, #tpu.memory_space<semaphore_mem>>
    %dma_wait3A_216 = tpu.memref_squeeze %dma_wait3A_215 : memref<1x!tpu.dma_semaphore, #tpu.memory_space<semaphore_mem>> -> memref<!tpu.dma_semaphore, #tpu.memory_space<semaphore_mem>>
    %dma_wait3A_217 = arith.constant 0 : i32
    %dma_wait3A_218 = arith.constant 0 : i32
    %dma_wait3A_219 = tpu.memref_slice %arg1[%dma_wait3A_213, %dma_wait3A_217, %dma_wait3A_218] : memref<4x4096x256xf32, #tpu.memory_space<any>> -> memref<1x4096x256xf32, #tpu.memory_space<any>>
    %dma_wait3A_220 = tpu.memref_squeeze %dma_wait3A_219 : memref<1x4096x256xf32, #tpu.memory_space<any>> -> memref<4096x256xf32, #tpu.memory_space<any>>
    %dma_wait3A_221 = arith.constant 0 : i32
    %dma_wait3A_222 = arith.constant 0 : i32
    %dma_wait3A_223 = tpu.memref_slice %arg3[%dma_wait3A_212, %dma_wait3A_221, %dma_wait3A_222] : memref<4x4096x256xf32, #tpu.memory_space<vmem>> -> memref<1x4096x256xf32, #tpu.memory_space<vmem>>
    %dma_wait3A_224 = tpu.memref_squeeze %dma_wait3A_223 : memref<1x4096x256xf32, #tpu.memory_space<vmem>> -> memref<4096x256xf32, #tpu.memory_space<vmem>>
    tpu.wait_dma2 semaphore(%dma_wait3A_216 : memref<!tpu.dma_semaphore, #tpu.memory_space<semaphore_mem>>) src(%dma_wait3A_224 : memref<4096x256xf32, #tpu.memory_space<vmem>>) dst(%dma_wait3A_220 : memref<4096x256xf32, #tpu.memory_space<any>>)
    %dma_wait3A_225 = arith.constant 2 : i32
    %dma_wait3A_226 = arith.constant 2 : i32
    %dma_wait3A_227 = arith.constant 2 : i32
    %dma_wait3A_228 = tpu.memref_slice %arg5[%dma_wait3A_227] : memref<4x!tpu.dma_semaphore, #tpu.memory_space<semaphore_mem>> -> memref<1x!tpu.dma_semaphore, #tpu.memory_space<semaphore_mem>>
    %dma_wait3A_229 = tpu.memref_squeeze %dma_wait3A_228 : memref<1x!tpu.dma_semaphore, #tpu.memory_space<semaphore_mem>> -> memref<!tpu.dma_semaphore, #tpu.memory_space<semaphore_mem>>
    %dma_wait3A_230 = arith.constant 0 : i32
    %dma_wait3A_231 = arith.constant 0 : i32
    %dma_wait3A_232 = tpu.memref_slice %arg1[%dma_wait3A_226, %dma_wait3A_230, %dma_wait3A_231] : memref<4x4096x256xf32, #tpu.memory_space<any>> -> memref<1x4096x256xf32, #tpu.memory_space<any>>
    %dma_wait3A_233 = tpu.memref_squeeze %dma_wait3A_232 : memref<1x4096x256xf32, #tpu.memory_space<any>> -> memref<4096x256xf32, #tpu.memory_space<any>>
    %dma_wait3A_234 = arith.constant 0 : i32
    %dma_wait3A_235 = arith.constant 0 : i32
    %dma_wait3A_236 = tpu.memref_slice %arg3[%dma_wait3A_225, %dma_wait3A_234, %dma_wait3A_235] : memref<4x4096x256xf32, #tpu.memory_space<vmem>> -> memref<1x4096x256xf32, #tpu.memory_space<vmem>>
    %dma_wait3A_237 = tpu.memref_squeeze %dma_wait3A_236 : memref<1x4096x256xf32, #tpu.memory_space<vmem>> -> memref<4096x256xf32, #tpu.memory_space<vmem>>
    tpu.wait_dma2 semaphore(%dma_wait3A_229 : memref<!tpu.dma_semaphore, #tpu.memory_space<semaphore_mem>>) src(%dma_wait3A_237 : memref<4096x256xf32, #tpu.memory_space<vmem>>) dst(%dma_wait3A_233 : memref<4096x256xf32, #tpu.memory_space<any>>)
    %dma_wait3A_238 = arith.constant 3 : i32
    %dma_wait3A_239 = arith.constant 3 : i32
    %dma_wait3A_240 = arith.constant 3 : i32
    %dma_wait3A_241 = tpu.memref_slice %arg5[%dma_wait3A_240] : memref<4x!tpu.dma_semaphore, #tpu.memory_space<semaphore_mem>> -> memref<1x!tpu.dma_semaphore, #tpu.memory_space<semaphore_mem>>
    %dma_wait3A_242 = tpu.memref_squeeze %dma_wait3A_241 : memref<1x!tpu.dma_semaphore, #tpu.memory_space<semaphore_mem>> -> memref<!tpu.dma_semaphore, #tpu.memory_space<semaphore_mem>>
    %dma_wait3A_243 = arith.constant 0 : i32
    %dma_wait3A_244 = arith.constant 0 : i32
    %dma_wait3A_245 = tpu.memref_slice %arg1[%dma_wait3A_239, %dma_wait3A_243, %dma_wait3A_244] : memref<4x4096x256xf32, #tpu.memory_space<any>> -> memref<1x4096x256xf32, #tpu.memory_space<any>>
    %dma_wait3A_246 = tpu.memref_squeeze %dma_wait3A_245 : memref<1x4096x256xf32, #tpu.memory_space<any>> -> memref<4096x256xf32, #tpu.memory_space<any>>
    %dma_wait3A_247 = arith.constant 0 : i32
    %dma_wait3A_248 = arith.constant 0 : i32
    %dma_wait3A_249 = tpu.memref_slice %arg3[%dma_wait3A_238, %dma_wait3A_247, %dma_wait3A_248] : memref<4x4096x256xf32, #tpu.memory_space<vmem>> -> memref<1x4096x256xf32, #tpu.memory_space<vmem>>
    %dma_wait3A_250 = tpu.memref_squeeze %dma_wait3A_249 : memref<1x4096x256xf32, #tpu.memory_space<vmem>> -> memref<4096x256xf32, #tpu.memory_space<vmem>>
    tpu.wait_dma2 semaphore(%dma_wait3A_242 : memref<!tpu.dma_semaphore, #tpu.memory_space<semaphore_mem>>) src(%dma_wait3A_250 : memref<4096x256xf32, #tpu.memory_space<vmem>>) dst(%dma_wait3A_246 : memref<4096x256xf32, #tpu.memory_space<any>>)
    return
  }
}

</mosaic_0001>

<sc_bundles>
// kernel: kernel.4.cloned.1.call-start
scs
__scs_entry_jumppad:
0x0: {  	(pc) =	sbr.rel $0x88, $3  }
0x1: {  	(tag) =	ssettag $0x0;
	lr =	simm.s32 $0x1  }
0x2: {  	[smem:$0x3FA0] =	sst lr;
	_ =	strace $0xD0000000  }
0x3: {  	_ = 	snop  }
0x4: {  	_ = 	snop  }
0x5: {  	_ = 	snop  }
0x6: {  	_ = 	snop  }
0x7: {  	_ = 	snop  }
__scs_overlays_trampoline_lowered:
0x8: {  	[smem:$0x3FAF] =	sst s0  }
0x9: {  	[smem:$0x3FB0] =	sst s1  }
0xa: {  	[smem:$0x3FB1] =	sst s2  }
0xb: {  	[smem:$0x3FB2] =	sst s3  }
0xc: {  	[smem:$0x3FB3] =	sst s4  }
0xd: {  	[smem:$0x3FB4] =	sst s5  }
0xe: {  	[smem:$0x3FB5] =	sst s6  }
0xf: {  	[smem:$0x3FB6] =	sst s7  }
0x10: {  	[smem:$0x3FB7] =	sst s8  }
0x11: {  	[smem:$0x3FB8] =	sst s9;
	s0 =	simm.s32 @!p0 $0x0  }
0x12: {  	s1 =	sld [smem:$0x3F9E];
	s0 =	simm.s32 @p0 $0x1  }
0x13: {  	[smem:$0x3FB9] =	sst s0;
	s0 =	simm.s32 @!p1 $0x0  }
0x14: {  	s2 =	sld [smem:$0x3F9D];
	s0 =	simm.s32 @p1 $0x1  }
0x15: {  	[smem:$0x3FBA] =	sst s0;
	s0 =	simm.s32 @!p2 $0x0  }
0x16: {  	s3 =	sld [smem:$0x3FDB];
	s0 =	simm.s32 @p2 $0x1  }
0x17: {  	s4 =	simm.s32 $0x1BF5;
	[smem:$0x3FBC] =	sst s0  }
0x18: {  	s0 =	sld [smem:$0x3F9F];
	_ =	swait.ge [sflag:s4], $0x0  }
0x19: {  	s7 =	sld [smem:$0x3FA0]  }
0x1a: {  	s8 =	sadd.s32 $0xFFFFE003, lr  }
0x1b: {  	s9 =	sadd.s32 $0xFFFFFEF7, lr;
	s5 =	simm.s32 $0xFFFFFFFF;
	p2 =	slt.u32 s8, $0xFFFFF086  }
0x1c: {  	p1 =	slt.u32 s9, $0xF7A;
	s5 =	simm.s32 @!p2 $0x0  }
0x1d: {  	s5 =	simm.s32 @p1 $0x1;
	p0 =	seq.s32 s7, s2  }
0x1e: {  	s7 =	smul.u32 @!p0 $0xF7A, s2;
	p2 =	seq.s32 @!p0 s5, $0x0  }
0x1f: {  	s9 =	smul.u32 $0xF7A, s1;
	s8 =	simm.s32 @!p0 $0x1BF5;
	p2 =	por !p2, p0  }
0x20: {  	[sflag:s8] =	ssyncset.s32 @!p0 $0xFFFFF086;
	s6 =	sadd.s32 @!p0 s3, s7;
	s7 =	simm.s32 @!p0 $0x108  }
0x21: {  	s3 =	sadd.s32 s3, s9;
	s6 =	sadd.s32 @!p0 $0x88, s6;
	s7 =	simm.s32 @p2 $0x1082  }
0x22: {  	[simem:s7], [sflag:s8] =	dma.local @!p0 [hbm:s6], $0xF7A  }
0x23: {  	s9 =	sor.u32 $0xD0000000, s2;
	s6 =	simm.s32 $0x108;
	_ =	swait.ge @!p0 [sflag:s8], $0x0  }
0x24: {  	s3 =	sadd.s32 $0x88, s3;
	s6 =	simm.s32 @!p1 $0x1082;
	[sflag:s4] =	ssyncset.s32 $0xFFFFF086  }
0x25: {  	[simem:s6], [sflag:s4] =	dma.local [hbm:s3], $0xF7A  }
0x26: {  	[smem:$0x3FA0] =	sst s1;
	(tag) =	ssettag s2;
	_ =	strace s9  }
0x27: {  	s1 =	sld [smem:$0x3FB0]  }
0x28: {  	s2 =	sld [smem:$0x3FB1]  }
0x29: {  	s4 =	sld [smem:$0x3FB3]  }
0x2a: {  	p0 =	seq.s32 s5, $0x0;
	s5 =	sld [smem:$0x3FB4]  }
0x2b: {  	s6 =	sld [smem:$0x3FB5]  }
0x2c: {  	s7 =	sld [smem:$0x3FB6]  }
0x2d: {  	s3 =	simm.s32 $0x108;
	s8 =	sld [smem:$0x3FB7]  }
0x2e: {  	s3 =	simm.s32 @!p0 $0x1082;
	s9 =	sld [smem:$0x3FB8]  }
0x2f: {  	lr =	sadd.s32 s0, s3;
	s0 =	sld [smem:$0x3FAF]  }
0x30: {  	s3 =	sld [smem:$0x3FB2]  }
0x31: {  	[smem:$0x3FBB] =	sst s10  }
0x32: {  	s10 =	sld [smem:$0x3FB9];
	_ =	sdelay $0x3  }
0x33: {  	p0 =	seq.s32 s10, $0x1;
	s10 =	sld [smem:$0x3FBB];
	_ =	sdelay $0x3  }
0x34: {  	[smem:$0x3FBB] =	sst s10  }
0x35: {  	s10 =	sld [smem:$0x3FBA];
	_ =	sdelay $0x3  }
0x36: {  	p1 =	seq.s32 s10, $0x1;
	s10 =	sld [smem:$0x3FBB];
	_ =	sdelay $0x3  }
0x37: {  	[smem:$0x3FBB] =	sst s10  }
0x38: {  	s10 =	sld [smem:$0x3FBC]  }
0x39: {  	_ = 	snop;
	(pc) =	sbr.ind lr, $3  }
0x3a: {  	_ = 	snop  }
0x3b: {  	_ = 	snop  }
0x3c: {  	p2 =	seq.s32 s10, $0x1;
	s10 =	sld [smem:$0x3FBB]  }
0x3d: {  	_ =	shalt  }
0x3e: {  	_ =	shalt  }
0x3f: {  	_ =	shalt  }
0x40: {  	_ =	shalt  }
0x41: {  	_ =	shalt  }
0x42: {  	_ =	shalt  }
0x43: {  	_ =	shalt  }
0x44: {  	_ =	shalt  }
0x45: {  	_ =	shalt  }
0x46: {  	_ =	shalt  }
0x47: {  	_ =	shalt  }
0x48: {  	_ =	shalt  }
0x49: {  	_ =	shalt  }
0x4a: {  	_ =	shalt  }
0x4b: {  	_ =	shalt  }
0x4c: {  	_ =	shalt  }
0x4d: {  	_ =	shalt  }
0x4e: {  	_ =	shalt  }
0x4f: {  	_ =	shalt  }
0x50: {  	_ =	shalt  }
0x51: {  	_ =	shalt  }
0x52: {  	_ =	shalt  }
0x53: {  	_ =	shalt  }
0x54: {  	_ =	shalt  }
0x55: {  	_ =	shalt  }
0x56: {  	_ =	shalt  }
0x57: {  	_ =	shalt  }
0x58: {  	_ =	shalt  }
0x59: {  	_ =	shalt  }
0x5a: {  	_ =	shalt  }
0x5b: {  	_ =	shalt  }
0x5c: {  	_ =	shalt  }
0x5d: {  	_ =	shalt  }
0x5e: {  	_ =	shalt  }
0x5f: {  	_ =	shalt  }
0x60: {  	_ =	shalt  }
0x61: {  	_ =	shalt  }
0x62: {  	_ =	shalt  }
0x63: {  	_ =	shalt  }
0x64: {  	_ =	shalt  }
0x65: {  	_ =	shalt  }
0x66: {  	_ =	shalt  }
0x67: {  	_ =	shalt  }
0x68: {  	_ =	shalt  }
0x69: {  	_ =	shalt  }
0x6a: {  	_ =	shalt  }
0x6b: {  	_ =	shalt  }
0x6c: {  	_ =	shalt  }
0x6d: {  	_ =	shalt  }
0x6e: {  	_ =	shalt  }
0x6f: {  	_ =	shalt  }
0x70: {  	_ =	shalt  }
0x71: {  	_ =	shalt  }
0x72: {  	_ =	shalt  }
0x73: {  	_ =	shalt  }
0x74: {  	_ =	shalt  }
0x75: {  	_ =	shalt  }
0x76: {  	_ =	shalt  }
0x77: {  	_ =	shalt  }
0x78: {  	_ =	shalt  }
0x79: {  	_ =	shalt  }
0x7a: {  	_ =	shalt  }
0x7b: {  	_ =	shalt  }
0x7c: {  	_ =	shalt  }
0x7d: {  	_ =	shalt  }
0x7e: {  	_ =	shalt  }
0x7f: {  	_ =	shalt  }
0x80: {  	_ =	shalt  }
0x81: {  	_ =	shalt  }
0x82: {  	_ =	shalt  }
0x83: {  	_ =	shalt  }
0x84: {  	_ =	shalt  }
0x85: {  	_ =	shalt  }
0x86: {  	_ =	shalt  }
0x87: {  	_ =	shalt  }
.Lfunc_end0:
.L_simem_size_0:
called_computation_lowered:
.L_overlay_start_0:
0x88: {  	s2 =	sld [smem:$0x3FD9]  }
0x89: {  	s3 =	sld [smem:$0x3FFE];
	_ =	sdelay $0x1  }
0x8a: {  	s1 =	srdreg.scid  }
0x8b: {  	s0 =	sand.u32 $0x1, s1  }
0x8c: {  	s14 =	sshll.u32 s0, $0xA;
	s2 =	sadd.s32 s3, s2  }
0x8d: {  	s2 =	sadd.s32 s2, s14  }
0x8e: {  	[smem:$0x3FC7] =	sst s2  }
0x8f: {  	_ = 	snop  }
0x90: {  	s2 =	sld [smem:$0x3FD0];
	_ =	sdelay $0x2  }
0x91: {  	s15 =	simm.s32 $0xA;
	s4 =	simm.s32 $0x10  }
0x92: {  	[smem:s4], [sflag:s15] =	dma.local [hbm:s2], $0x1  }
0x93: {  	_ =	swait.eq [sflag:s15], $0x1  }
0x94: {  	[sflag:s15] =	ssyncset.done $0x0  }
0x95: {  	[sflag:s15] =	ssyncadd.s32 $0xFFFFFFFF  }
0x96: {  	s16 =	sld [smem:$0x11];
	(tm) =	ssettm $0x1  }
0x97: {  	s17 =	sld [smem:$0x3FFB];
	_ =	sdelay $0x3  }
0x98: {  	_ =	strace s17  }
0x99: {  	s3 =	sld [smem:$0x3FFC];
	_ =	sdelay $0x3  }
0x9a: {  	_ =	strace s3  }
0x9b: {  	s3 =	sld [smem:$0x3FFD];
	_ =	sdelay $0x3  }
0x9c: {  	_ =	strace s3  }
0x9d: {  	_ =	strace $0x8FFFFFFF  }
0x9e: {  	s18 =	sld [smem:$0x3FDB];
	_ =	sdelay $0x1  }
0x9f: {  	s19 =	simm.s32 $_scs_section_size  }
0xa0: {  	s5 =	simm.s32 $_size__tile_overlayer_lowered;
	s6 =	simm.s32 $_tile_overlayer_lowered  }
0xa1: {  	s22 =	simm.s32 $0x1BFF;
	s21 =	sshll.u32 s6, $0x1;
	s3 =	sadd.s32 s19, s18  }
0xa2: {  	s7 =	simm.s32 $0x0;
	s20 =	sshll.u32 s5, $0x1;
	s5 =	sadd.s32 s21, s3  }
0xa3: {  	[timem:s7], [sflag:s22] =	dma.local [hbm:s5], s20  }
0xa4: {  	_ =	swait.ge [sflag:s22], s20  }
0xa5: {  	s4 =	ssub.s32 $0x0, s20;
	[sflag:s22] =	ssyncset.done $0x0  }
0xa6: {  	[sflag:s22] =	ssyncadd.s32 s4;
	_ =	sdelay $0x1  }
0xa7: {  	s23 =	simm.s32 $0x1B8B  }
0xa8: {  	_ =	swait.ge [sflag:s23], $0x1  }
0xa9: {  	[sflag:s23] =	ssyncset.done $0x0  }
0xaa: {  	s25 =	simm.s32 $0x1B8E;
	s24 =	sld [smem:$0x3FFE];
	[sflag:s23] =	ssyncadd.s32 $0xFFFFFFFF  }
0xab: {  	s26 =	simm.s32 $execute0_lowered;
	[smem:$0x3FD2] =	sst s25  }
0xac: {  	s5 =	sshll.u32 s26, $0x1;
	_ =	strace $0x80000046;
	[dreg:$0x1] =	wrdreg $0xFFFFFFFF  }
0xad: {  	s28 =	simm.s32 $_size_execute0_lowered;
	s3 =	sadd.s32 s3, s5;
	[dreg:$0x0] =	wrdreg $0x0  }
0xae: {  	s5 =	sshll.u32 s28, $0x1;
	[dreg:$0x2] =	wrdreg s3  }
0xaf: {  	[dreg:$0x3] =	wrdreg s5  }
0xb0: {  	[dreg:$0x4] =	wrdreg $0xC0  }
0xb1: {  	_ =	task [dreg:s7], $0x5FFFF  }
0xb2: {  	[dreg:$0x1] =	wrdreg $0xFFFFFFFF  }
0xb3: {  	[dreg:$0x0] =	wrdreg $0x60  }
0xb4: {  	[dreg:$0x2] =	wrdreg s24  }
0xb5: {  	[dreg:$0x3] =	wrdreg s16  }
0xb6: {  	[dreg:$0x4] =	wrdreg $0x9  }
0xb7: {  	_ =	task.clear_ibuf [dreg:s7], $0x5FFFF;
	_ =	strace $0x90000046  }
0xb8: {  	s29 =	simm.s32 $0x9;
	_ =	strace $0x80000048  }
0xb9: {  	_ =	swait.ge [sflag:s29], $0x1  }
0xba: {  	[sflag:s29] =	ssyncadd.s32 $0xFFFFFFFF  }
0xbb: {  	_ =	strace $0x90000048  }
0xbc: {  	_ =	sfence  }
0xbd: {  	s30 =	sld [smem:$0x0];
	_ =	sdelay $0x2  }
0xbe: {  	s31 =	sshll.u32 s1, $0xD;
	s1 =	sshrl.u32 s1, $0x2  }
0xbf: {  	s3 =	sand.u32 $0x4000, s31;
	s1 =	sadd.s32 s1, s30  }
0xc0: {  	s0 =	sor.u32 s3, s0;
	s1 =	sshll.u32 s1, $0x11  }
0xc1: {  	s0 =	sor.u32 s1, s0  }
0xc2: {  	s0 =	sadd.s32 $0x8F2B, s0  }
0xc3: {  	[sflag:s0] =	ssyncadd.remote.s32 $0x1  }
0xc4: {  	_ =	sfence.sel $0xFFFF  }
0xc5: {  	[dreg:$0x0] =	wrdreg $0xFFFFFFFF;
	(pc) =	sbr.abs _section_cstart, $3  }
0xc6: {  	[dreg:$0x1] =	wrdreg $0xFFFFFFFF  }
0xc7: {  	_ =	task.clear_ibuf [dreg:s7], $0x2FFFF;
	_ =	strace $0x9FFFFFFF  }
0xc8: {  	(tm) =	ssettm $0x7FFFFFFF  }
0xc9: {  	_ =	shalt  }
tec
execute0_lowered:
.L_overlay_start_1:
0x0: {  	(tag) =	ssettag $0x1  }
0x1: {  	s3 =	rddreg [dreg:$0x0]  }
0x2: {  	s5 =	rddreg [dreg:$0x1]  }
0x3: {  	s2 =	srdreg.scid;
	s0 =	rddreg [dreg:$0x2]  }
0x4: {  	s1 =	stileid.u32;
	s4 =	sand.u32 $0x1, s2;
	s2 =	simm.s32 $0x0  }
0x5: {  	s6 =	sshll.u32 s1, $0xB;
	s7 =	sshll.u32 s4, $0xA;
	s31 =	ssub.s32 $0x2, s4  }
0x6: {  	[smem:$0x7FF] =	sst s2;
	s6 =	sor.u32 s7, s6;
	s8 =	sshrl.u32 s31, $0x1  }
0x7: {  	s4 =	simm.s32 $0x1;
	s3 =	sadd.s32 s6, s3;
	s7 =	ssub.s32 s31, s8  }
0x8: {  	_ =	strace $0x80000047;
	s3 =	sadd.s32 $0x600, s3;
	s7 =	smax.u32 s7, $0x1  }
0x9: {  	[tilespmem:s2], [sflag:$0x1] =	stream.linear.gather [hbm4b:s3+s2], $0x2000, $0x38;
	[tilespmem:$0x2000] =	vst v63  }
0xa: {  	p0 =	sne.s32 s7, $0x1;
	_ =	swait.ge [sflag:s4], $0x2000  }
.Ltmp0:
0xb: {  	[sflag:s4] =	ssyncset.done $0x0;
	(pc) =	sbr.rel @!p0 .LBB2_2-.Ltmp0, $4  }
0xc: {  	s5 =	sadd.s32 s5, s6;
	s6 =	simm.s32 $0x2;
	[sflag:s4] =	ssyncadd.s32 $0xFFFFE000  }
0xd: {  	[hbm4b:s5+s2] =	stream.linear.scatter [tilespmem:s2], [sflag:$0x2], $0x2000, $0x38;
	[tilespmem:$0x2000] =	vst v63  }
0xe: {  	_ =	swait.ge [sflag:s6], $0x2000  }
0xf: {  	s7 =	sadd.s32 $0xFFFFFFFF, s7;
	[sflag:s6] =	ssyncset.done $0x0  }
.LBB2_1:
0x10: {  	p0 =	sne.s32 s7, $0x1;
	s7 =	sadd.s32 $0xFFFFFFFF, s7;
	[sflag:s6] =	ssyncadd.s32 $0xFFFFE000  }
0x11: {  	[tilespmem:s2], [sflag:$0x1] =	stream.linear.gather [hbm4b:s3+s2], $0x2000, $0x38;
	[tilespmem:$0x2000] =	vst v63  }
0x12: {  	_ =	swait.ge [sflag:s4], $0x2000  }
.Ltmp1:
0x13: {  	[sflag:s4] =	ssyncset.done $0x0;
	(pc) =	sbr.rel @p0 .LBB2_1-.Ltmp1, $4  }
0x14: {  	[sflag:s4] =	ssyncadd.s32 $0xFFFFE000  }
0x15: {  	[hbm4b:s5+s2] =	stream.linear.scatter [tilespmem:s2], [sflag:$0x2], $0x2000, $0x38;
	[tilespmem:$0x2000] =	vst v63  }
0x16: {  	_ =	swait.ge [sflag:s6], $0x2000  }
0x17: {  	[sflag:s6] =	ssyncset.done $0x0  }
.LBB2_2:
0x18: {  	[sflag:s6] =	ssyncadd.s32 $0xFFFFE000  }
0x19: {  	_ =	sfence.sel $0x180000  }
0x1a: {  	[bflag:$0x0] =	sbarrier.arrive $0xFFFF  }
0x1b: {  	p0 =	sne.s32 s1, $0x0;
	_ =	strace $0x90000047  }
0x1c: {  	s0 =	sadd.s32 @!p0 $0x100000, s0;
	[bflag:$0x2] =	sbarrier.arrive $0xFFFF  }
0x1d: {  	[sflag:s0] =	ssyncadd.tile.s32 @!p0 $0x1;
	_ =	shalt  }
.Lfunc_end2:
_tile_overlayer_lowered:
.L_overlay_start_2:
0x1e: {  	(tag) =	ssettag $0x2  }
0x1f: {  	s0 =	rddreg [dreg:$0x0];
	s2 =	stileid.u32  }
0x20: {  	s1 =	rddreg [dreg:$0x1];
	p0 =	sne.s32 s2, $0x0  }
0x21: {  	s3 =	rddreg [dreg:$0x2];
	[bflag:$0x3] =	sbarrier.arrive $0xFFFF;
	s2 =	simm.s32 @!p0 $0x1C02  }
0x22: {  	[timem:s3], [sflag:s2] =	dma.local @!p0 [hbm:s0], s1  }
0x23: {  	s0 =	simm.s32 @!p0 $0x2  }
0x24: {  	_ =	swait.ge @!p0 [sflag:s0], s1  }
0x25: {  	s1 =	ssub.s32 @!p0 $0x0, s1;
	[sflag:s0] =	ssyncset.done @!p0 $0x0  }
0x26: {  	[sflag:s0] =	ssyncadd.s32 @!p0 s1  }
0x27: {  	[bflag:$0x3] =	sbarrier.arrive $0xFFFF  }
0x28: {  	_ =	shalt  }

</sc_bundles>
